<compile_context>
chip_gen: v7x
topology: tpu7x:2x2x1
jax: 0.10.2.dev20260603
libtpu: 0.0.44.dev20260713+nightly
codegen_flags: <defaults>
</compile_context>

<pallas_src>
import functools

import jax
import jax.numpy as jnp
from jax import lax
from jax.experimental import pallas as pl
from jax.experimental.pallas import tpu as pltpu
from jax.experimental.pallas import tpu_sc as plsc

_LANES = 16


def _build_sc_call(B, E, N, O):
    info = plsc.get_sparse_core_info()
    NC, NS = info.num_cores, info.num_subcores
    NW = NC * NS
    assert B % NW == 0
    BPW = B // NW
    SPV = _LANES // O
    GPW = BPW // SPV

    mesh = plsc.VectorSubcoreMesh(core_axis_name="c", subcore_axis_name="s")

    @functools.partial(
        pl.kernel,
        mesh=mesh,
        compiler_params=pltpu.CompilerParams(
            use_tc_tiling_on_sc=False,
            needs_layout_passes=False,
            skip_device_barrier=True,
        ),
        out_type=jax.ShapeDtypeStruct((NW, O, BPW), jnp.float32),
        scratch_types=[
            pltpu.VMEM((E, N // 128, O, 128), jnp.float32),
            pltpu.VMEM((O, E), jnp.float32),
            pltpu.VMEM((BPW,), jnp.int32),
            pltpu.VMEM((BPW,), jnp.int32),
            pltpu.VMEM((O, BPW), jnp.float32),
            pltpu.SemaphoreType.DMA,
            pltpu.SemaphoreType.DMA,
        ],
    )
    def sc_call(w_hbm, b_hbm, idx_hbm, typ_hbm, out_hbm,
                wtab_v, btab_v, idx_v, typ_v, out_v, sem_w, sem_b):
        wid = lax.axis_index("s") * NC + lax.axis_index("c")
        base = wid * BPW
        cw = pltpu.async_copy(w_hbm, wtab_v, sem_w)
        cb = pltpu.async_copy(b_hbm, btab_v, sem_b)
        pltpu.sync_copy(idx_hbm.at[pl.ds(base, BPW)], idx_v)
        pltpu.sync_copy(typ_hbm.at[pl.ds(base, BPW)], typ_v)

        lane = lax.broadcasted_iota(jnp.int32, (_LANES,), 0)
        l4 = lane // SPV
        olane = lane - l4 * SPV

        cb.wait()
        cw.wait()

        @plsc.parallel_loop(0, GPW, step=1, unroll=2)
        def group(r):
            sidx = l4 + r * SPV
            t2 = plsc.load_gather(typ_v, [sidx])
            i2 = plsc.load_gather(idx_v, [sidx])
            wv = plsc.load_gather(
                wtab_v,
                [t2, lax.shift_right_logical(i2, 7), olane, i2 & 127],
            )
            bv = plsc.load_gather(btab_v, [olane, t2])
            x = wv + bv
            e = jnp.exp(x * 2.0)
            y = 1.0 - 2.0 / (e + 1.0)
            plsc.store_scatter(out_v, [olane, sidx], y)

        pltpu.sync_copy(out_v, out_hbm.at[wid])

    return sc_call


def kernel(W, b, action_indecies, action_n_obj, action_types):
    del action_n_obj
    E, O, N = W.shape
    B = action_indecies.shape[0]
    idx = action_indecies.astype(jnp.int32)
    typ = action_types.astype(jnp.int32)
    w4 = W.reshape(E, O, N // 128, 128).transpose(0, 2, 1, 3)
    out = _build_sc_call(B, E, N, O)(w4, b.T, idx, typ)
    return out.transpose(0, 2, 1).reshape(B, O)

# --- scband reference (transcript-rebuilt; emitter-appended) ---
"""Pipeline reference for scband-action-encoder-49100066128401 (READ-ONLY COPY).

The authoritative reference and input builder live on the scoring server;
editing this copy changes nothing except your own understanding.
"""

import jax, jax.numpy as jnp
import numpy as np

# Module-level globals from the original code (ActionEncoder takes no __init__ args)
MAX_N = 1024
As = [1, 1, 1, 1, 1, 1, 1, 1]  # in_objects per expert; all equal so action_n_obj==1 is always in-range
E = len(As)
SEMANTICS_LATENT = 4
B = 4096


def setup_inputs(seed: int = 0) -> dict:
    key = jax.random.key(seed)
    k1, k2, k3, k4 = jax.random.split(key, 4)
    # Per-expert SemanticEncoder fc1 params: weight [out, in] = [SEMANTICS_LATENT, a*MAX_N] (a==1 for all)
    W = jax.random.normal(k1, (E, SEMANTICS_LATENT, As[0] * MAX_N), dtype=jnp.float32) * 0.02
    b = jax.random.normal(k2, (E, SEMANTICS_LATENT), dtype=jnp.float32) * 0.02
    action_indecies = jax.random.randint(k3, (B,), 0, MAX_N)
    action_n_obj = jnp.ones((B,), dtype=jnp.int32)  # n == As[t] == 1 for every sample
    action_types = jax.random.randint(k4, (B,), 0, E)
    return {
        "W": W,
        "b": b,
        "action_indecies": action_indecies,
        "action_n_obj": action_n_obj,
        "action_types": action_types,
    }


def reference(W, b, action_indecies, action_n_obj, action_types):
    # index_to_one_hot: idx.view(-1,1); zeros[(num, MAX_N)]; scatter 1 at idx; view(-1, MAX_N*max(As))
    idx = action_indecies.reshape(-1)
    num = idx.shape[0]
    onehot = jnp.zeros((num, MAX_N), dtype=W.dtype).at[jnp.arange(num), idx].set(1.0)
    onehot = onehot.reshape(-1, MAX_N * max(As))  # max(As) == 1 -> [B, MAX_N]
    # per-sample: a[: n*MAX_N] fed to encoder As[t]; since As[t]==1 == n, the slice is the
    # full row (n*MAX_N == MAX_N), so we can route in a vectorized gather of expert params.
    Wt = W[action_types]  # [B, SEMANTICS_LATENT, MAX_N]
    bt = b[action_types]  # [B, SEMANTICS_LATENT]
    # SemanticEncoder.forward: tanh(Linear(state)) = tanh(state @ W.T + b)
    out = jnp.tanh(jnp.einsum("bn,bon->bo", onehot, Wt) + bt)
    # torch.stack(all_action_latent) -> [B, SEMANTICS_LATENT]
    return out

if __name__ == "__main__":
    import jax
    _d = setup_inputs()
    print(jax.jit(kernel)(*tuple(_d.values())))

</pallas_src>

<mosaic_0001>
#map = affine_map<(d0, d1) -> (0, 0, 0, 0)>
#map1 = affine_map<(d0, d1) -> (0, 0)>
#map2 = affine_map<(d0, d1) -> (0)>
#map3 = affine_map<(d0, d1) -> (0, 0, 0)>
module attributes {stable_mosaic.version = 14 : i64} {
  func.func @sc_call(%arg0: i32, %arg1: i32, %arg2: memref<8x8x4x128xf32, #tpu.memory_space<hbm>>, %arg3: memref<4x8xf32, #tpu.memory_space<hbm>>, %arg4: memref<4096xi32, #tpu.memory_space<hbm>>, %arg5: memref<4096xi32, #tpu.memory_space<hbm>>, %arg6: memref<32x4x128xf32, #tpu.memory_space<hbm>>, %arg7: memref<8x8x4x128xf32, #tpu.memory_space<vmem>>, %arg8: memref<4x8xf32, #tpu.memory_space<vmem>>, %arg9: memref<128xi32, #tpu.memory_space<vmem>>, %arg10: memref<128xi32, #tpu.memory_space<vmem>>, %arg11: memref<4x128xf32, #tpu.memory_space<vmem>>, %arg12: memref<!tpu.dma_semaphore, #tpu.memory_space<semaphore_mem>>, %arg13: memref<!tpu.dma_semaphore, #tpu.memory_space<semaphore_mem>>) attributes {dimension_semantics = [#tpu.dimension_semantics<core_parallel>, #tpu.dimension_semantics<subcore_parallel>], iteration_bounds = array<i64: 2, 16>, scalar_prefetch = 0 : i64, scratch_operands = 7 : i64, tpu.core_type = #tpu.core_type<sc_vector_subcore>, window_params = [{transform_indices = #map}, {transform_indices = #map1}, {transform_indices = #map2}, {transform_indices = #map2}, {transform_indices = #map3}]} {
    %mul3A = arith.constant 2 : i32
    %mul3A_0 = arith.muli %arg1, %mul3A : i32
    %add3A = arith.addi %mul3A_0, %arg0 : i32
    %mul3A_1 = arith.constant 128 : i32
    %mul3A_2 = arith.muli %add3A, %mul3A_1 : i32
    tpu.enqueue_dma source(%arg2 : memref<8x8x4x128xf32, #tpu.memory_space<hbm>>) target(%arg7 : memref<8x8x4x128xf32, #tpu.memory_space<vmem>>) target_semaphore(%arg12 : memref<!tpu.dma_semaphore, #tpu.memory_space<semaphore_mem>>)
    tpu.enqueue_dma source(%arg3 : memref<4x8xf32, #tpu.memory_space<hbm>>) target(%arg8 : memref<4x8xf32, #tpu.memory_space<vmem>>) target_semaphore(%arg13 : memref<!tpu.dma_semaphore, #tpu.memory_space<semaphore_mem>>)
    "tpu.region"() ({
      %run_scoped3A = tpu.sem_alloc : memref<!tpu.dma_semaphore, #tpu.memory_space<semaphore_mem>>
      %dma_start3A = tpu.memref_slice %arg4[%mul3A_2] : memref<4096xi32, #tpu.memory_space<hbm>> -> memref<128xi32, #tpu.memory_space<hbm>>
      %dma_start3A_32 = tpu.memref_slice %arg4[%mul3A_2] : memref<4096xi32, #tpu.memory_space<hbm>> -> memref<128xi32, #tpu.memory_space<hbm>>
      tpu.enqueue_dma source(%dma_start3A_32 : memref<128xi32, #tpu.memory_space<hbm>>) target(%arg9 : memref<128xi32, #tpu.memory_space<vmem>>) target_semaphore(%run_scoped3A : memref<!tpu.dma_semaphore, #tpu.memory_space<semaphore_mem>>)
      %dma_wait3A = tpu.memref_slice %arg4[%mul3A_2] : memref<4096xi32, #tpu.memory_space<hbm>> -> memref<128xi32, #tpu.memory_space<hbm>>
      %dma_wait3A_33 = tpu.memref_slice %arg4[%mul3A_2] : memref<4096xi32, #tpu.memory_space<hbm>> -> memref<128xi32, #tpu.memory_space<hbm>>
      tpu.wait_dma2 semaphore(%run_scoped3A : memref<!tpu.dma_semaphore, #tpu.memory_space<semaphore_mem>>) src(%dma_wait3A_33 : memref<128xi32, #tpu.memory_space<hbm>>) dst(%arg9 : memref<128xi32, #tpu.memory_space<vmem>>)
      tpu.yield
    }) : () -> ()
    "tpu.region"() ({
      %run_scoped3A = tpu.sem_alloc : memref<!tpu.dma_semaphore, #tpu.memory_space<semaphore_mem>>
      %dma_start3A = tpu.memref_slice %arg5[%mul3A_2] : memref<4096xi32, #tpu.memory_space<hbm>> -> memref<128xi32, #tpu.memory_space<hbm>>
      %dma_start3A_32 = tpu.memref_slice %arg5[%mul3A_2] : memref<4096xi32, #tpu.memory_space<hbm>> -> memref<128xi32, #tpu.memory_space<hbm>>
      tpu.enqueue_dma source(%dma_start3A_32 : memref<128xi32, #tpu.memory_space<hbm>>) target(%arg10 : memref<128xi32, #tpu.memory_space<vmem>>) target_semaphore(%run_scoped3A : memref<!tpu.dma_semaphore, #tpu.memory_space<semaphore_mem>>)
      %dma_wait3A = tpu.memref_slice %arg5[%mul3A_2] : memref<4096xi32, #tpu.memory_space<hbm>> -> memref<128xi32, #tpu.memory_space<hbm>>
      %dma_wait3A_33 = tpu.memref_slice %arg5[%mul3A_2] : memref<4096xi32, #tpu.memory_space<hbm>> -> memref<128xi32, #tpu.memory_space<hbm>>
      tpu.wait_dma2 semaphore(%run_scoped3A : memref<!tpu.dma_semaphore, #tpu.memory_space<semaphore_mem>>) src(%dma_wait3A_33 : memref<128xi32, #tpu.memory_space<hbm>>) dst(%arg10 : memref<128xi32, #tpu.memory_space<vmem>>)
      tpu.yield
    }) : () -> ()
    %iota3A = tpu.iota {dimensions = array<i32: 0>} : vector<16xi32>
    %jit3A = arith.constant 4 : i32
    %div3A = vector.broadcast %jit3A : i32 to vector<16xi32>
    %div3A_3 = arith.divsi %iota3A, %div3A : vector<16xi32>
    %sign3A = arith.constant 0 : i32
    %sign3A_4 = vector.broadcast %sign3A : i32 to vector<16xi32>
    %sign3A_5 = arith.cmpi sgt, %iota3A, %sign3A_4 : vector<16xi32>
    %sign3A_6 = arith.extui %sign3A_5 : vector<16xi1> to vector<16xi32>
    %sign3A_7 = arith.constant 0 : i32
    %sign3A_8 = vector.broadcast %sign3A_7 : i32 to vector<16xi32>
    %sign3A_9 = arith.cmpi slt, %iota3A, %sign3A_8 : vector<16xi32>
    %sign3A_10 = arith.extui %sign3A_9 : vector<16xi1> to vector<16xi32>
    %sign3A_11 = arith.subi %sign3A_6, %sign3A_10 : vector<16xi32>
    %sign3A_12 = arith.constant 0 : i32
    %sign3A_13 = arith.cmpi sgt, %jit3A, %sign3A_12 : i32
    %sign3A_14 = arith.extui %sign3A_13 : i1 to i32
    %sign3A_15 = arith.constant 0 : i32
    %sign3A_16 = arith.cmpi slt, %jit3A, %sign3A_15 : i32
    %sign3A_17 = arith.extui %sign3A_16 : i1 to i32
    %sign3A_18 = arith.subi %sign3A_14, %sign3A_17 : i32
    %ne3A = vector.broadcast %sign3A_18 : i32 to vector<16xi32>
    %ne3A_19 = arith.cmpi ne, %sign3A_11, %ne3A : vector<16xi32>
    %rem3A = vector.broadcast %jit3A : i32 to vector<16xi32>
    %rem3A_20 = arith.remsi %iota3A, %rem3A : vector<16xi32>
    %ne3A_21 = arith.constant 0 : i32
    %ne3A_22 = vector.broadcast %ne3A_21 : i32 to vector<16xi32>
    %ne3A_23 = arith.cmpi ne, %rem3A_20, %ne3A_22 : vector<16xi32>
    %and3A = arith.andi %ne3A_19, %ne3A_23 : vector<16xi1>
    %sub3A = arith.constant 1 : i32
    %sub3A_24 = vector.broadcast %sub3A : i32 to vector<16xi32>
    %sub3A_25 = arith.subi %div3A_3, %sub3A_24 : vector<16xi32>
    %select_n3A = arith.select %and3A, %sub3A_25, %div3A_3 : vector<16xi1>, vector<16xi32>
    %mul3A_26 = arith.constant 4 : i32
    %mul3A_27 = vector.broadcast %mul3A_26 : i32 to vector<16xi32>
    %mul3A_28 = arith.muli %select_n3A, %mul3A_27 : vector<16xi32>
    %sub3A_29 = arith.subi %iota3A, %mul3A_28 : vector<16xi32>
    tpu.wait_dma2 semaphore(%arg13 : memref<!tpu.dma_semaphore, #tpu.memory_space<semaphore_mem>>) src(%arg3 : memref<4x8xf32, #tpu.memory_space<hbm>>) dst(%arg8 : memref<4x8xf32, #tpu.memory_space<vmem>>)
    tpu.wait_dma2 semaphore(%arg12 : memref<!tpu.dma_semaphore, #tpu.memory_space<semaphore_mem>>) src(%arg2 : memref<8x8x4x128xf32, #tpu.memory_space<hbm>>) dst(%arg7 : memref<8x8x4x128xf32, #tpu.memory_space<vmem>>)
    %parallel_loop3A = arith.constant 0 : i32
    %parallel_loop3A_30 = arith.constant 32 : i32
    %parallel_loop3A_31 = arith.constant 1 : i32
    scf.for %parallel_loop3A_32 = %parallel_loop3A to %parallel_loop3A_30 step %parallel_loop3A_31  : i32 {
      %parallel_loop3A_33 = arith.constant 4 : i32
      %parallel_loop3A_34 = arith.muli %parallel_loop3A_32, %parallel_loop3A_33 : i32
      %parallel_loop3A_35 = vector.broadcast %parallel_loop3A_34 : i32 to vector<16xi32>
      %parallel_loop3A_36 = arith.addi %select_n3A, %parallel_loop3A_35 : vector<16xi32>
      %parallel_loop3A_37 = tpu.vector_load_idx %arg10[%parallel_loop3A_36] : memref<128xi32, #tpu.memory_space<vmem>>[vector<16xi32>], vector<16xi32>,
      %parallel_loop3A_38 = tpu.vector_load_idx %arg9[%parallel_loop3A_36] : memref<128xi32, #tpu.memory_space<vmem>>[vector<16xi32>], vector<16xi32>,
      %parallel_loop3A_39 = arith.constant 7 : i32
      %parallel_loop3A_40 = vector.broadcast %parallel_loop3A_39 : i32 to vector<16xi32>
      %parallel_loop3A_41 = arith.shrui %parallel_loop3A_38, %parallel_loop3A_40 : vector<16xi32>
      %parallel_loop3A_42 = arith.constant 127 : i32
      %parallel_loop3A_43 = vector.broadcast %parallel_loop3A_42 : i32 to vector<16xi32>
      %parallel_loop3A_44 = arith.andi %parallel_loop3A_38, %parallel_loop3A_43 : vector<16xi32>
      %parallel_loop3A_45 = tpu.vector_load_idx %arg7[%parallel_loop3A_37, %parallel_loop3A_41, %sub3A_29, %parallel_loop3A_44] : memref<8x8x4x128xf32, #tpu.memory_space<vmem>>[vector<16xi32>, vector<16xi32>, vector<16xi32>, vector<16xi32>], vector<16xf32>,
      %parallel_loop3A_46 = tpu.vector_load_idx %arg8[%sub3A_29, %parallel_loop3A_37] : memref<4x8xf32, #tpu.memory_space<vmem>>[vector<16xi32>, vector<16xi32>], vector<16xf32>,
      %parallel_loop3A_47 = arith.addf %parallel_loop3A_45, %parallel_loop3A_46 : vector<16xf32>
      %parallel_loop3A_48 = arith.constant 2.000000e+00 : f32
      %parallel_loop3A_49 = vector.broadcast %parallel_loop3A_48 : f32 to vector<16xf32>
      %parallel_loop3A_50 = arith.mulf %parallel_loop3A_47, %parallel_loop3A_49 : vector<16xf32>
      %parallel_loop3A_51 = math.exp %parallel_loop3A_50 : vector<16xf32>
      %parallel_loop3A_52 = arith.constant 1.000000e+00 : f32
      %parallel_loop3A_53 = vector.broadcast %parallel_loop3A_52 : f32 to vector<16xf32>
      %parallel_loop3A_54 = arith.addf %parallel_loop3A_51, %parallel_loop3A_53 : vector<16xf32>
      %parallel_loop3A_55 = arith.constant 2.000000e+00 : f32
      %parallel_loop3A_56 = vector.broadcast %parallel_loop3A_55 : f32 to vector<16xf32>
      %parallel_loop3A_57 = arith.divf %parallel_loop3A_56, %parallel_loop3A_54 : vector<16xf32>
      %parallel_loop3A_58 = arith.constant 1.000000e+00 : f32
      %parallel_loop3A_59 = vector.broadcast %parallel_loop3A_58 : f32 to vector<16xf32>
      %parallel_loop3A_60 = arith.subf %parallel_loop3A_59, %parallel_loop3A_57 : vector<16xf32>
      tpu.vector_store_idx %arg11[%sub3A_29, %parallel_loop3A_36], %parallel_loop3A_60 : memref<4x128xf32, #tpu.memory_space<vmem>>[vector<16xi32>, vector<16xi32>], vector<16xf32>,
    } {sc.loop_unroll_factor = 2 : i64, sc.parallel_access}
    "tpu.region"() ({
      %run_scoped3A = tpu.sem_alloc : memref<!tpu.dma_semaphore, #tpu.memory_space<semaphore_mem>>
      %dma_start3A = arith.constant 0 : i32
      %dma_start3A_32 = arith.constant 0 : i32
      %dma_start3A_33 = tpu.memref_slice %arg6[%add3A, %dma_start3A, %dma_start3A_32] : memref<32x4x128xf32, #tpu.memory_space<hbm>> -> memref<1x4x128xf32, #tpu.memory_space<hbm>>
      %dma_start3A_34 = tpu.memref_squeeze %dma_start3A_33 : memref<1x4x128xf32, #tpu.memory_space<hbm>> -> memref<4x128xf32, #tpu.memory_space<hbm>>
      %dma_start3A_35 = arith.constant 0 : i32
      %dma_start3A_36 = arith.constant 0 : i32
      %dma_start3A_37 = tpu.memref_slice %arg6[%add3A, %dma_start3A_35, %dma_start3A_36] : memref<32x4x128xf32, #tpu.memory_space<hbm>> -> memref<1x4x128xf32, #tpu.memory_space<hbm>>
      %dma_start3A_38 = tpu.memref_squeeze %dma_start3A_37 : memref<1x4x128xf32, #tpu.memory_space<hbm>> -> memref<4x128xf32, #tpu.memory_space<hbm>>
      tpu.enqueue_dma source(%arg11 : memref<4x128xf32, #tpu.memory_space<vmem>>) target(%dma_start3A_38 : memref<4x128xf32, #tpu.memory_space<hbm>>) target_semaphore(%run_scoped3A : memref<!tpu.dma_semaphore, #tpu.memory_space<semaphore_mem>>)
      %dma_wait3A = arith.constant 0 : i32
      %dma_wait3A_39 = arith.constant 0 : i32
      %dma_wait3A_40 = tpu.memref_slice %arg6[%add3A, %dma_wait3A, %dma_wait3A_39] : memref<32x4x128xf32, #tpu.memory_space<hbm>> -> memref<1x4x128xf32, #tpu.memory_space<hbm>>
      %dma_wait3A_41 = tpu.memref_squeeze %dma_wait3A_40 : memref<1x4x128xf32, #tpu.memory_space<hbm>> -> memref<4x128xf32, #tpu.memory_space<hbm>>
      %dma_wait3A_42 = arith.constant 0 : i32
      %dma_wait3A_43 = arith.constant 0 : i32
      %dma_wait3A_44 = tpu.memref_slice %arg6[%add3A, %dma_wait3A_42, %dma_wait3A_43] : memref<32x4x128xf32, #tpu.memory_space<hbm>> -> memref<1x4x128xf32, #tpu.memory_space<hbm>>
      %dma_wait3A_45 = tpu.memref_squeeze %dma_wait3A_44 : memref<1x4x128xf32, #tpu.memory_space<hbm>> -> memref<4x128xf32, #tpu.memory_space<hbm>>
      tpu.wait_dma2 semaphore(%run_scoped3A : memref<!tpu.dma_semaphore, #tpu.memory_space<semaphore_mem>>) src(%arg11 : memref<4x128xf32, #tpu.memory_space<vmem>>) dst(%dma_wait3A_45 : memref<4x128xf32, #tpu.memory_space<hbm>>)
      tpu.yield
    }) : () -> ()
    return
  }
}

</mosaic_0001>

<sc_bundles>
// kernel: kernel.3.cloned.1.call-start
scs
__scs_entry_jumppad:
0x0: {  	(pc) =	sbr.rel $0x88, $3  }
0x1: {  	(tag) =	ssettag $0x0;
	lr =	simm.s32 $0x1  }
0x2: {  	[smem:$0x3F9D] =	sst lr;
	_ =	strace $0xD0000000  }
0x3: {  	_ = 	snop  }
0x4: {  	_ = 	snop  }
0x5: {  	_ = 	snop  }
0x6: {  	_ = 	snop  }
0x7: {  	_ = 	snop  }
__scs_overlays_trampoline_lowered:
0x8: {  	[smem:$0x3FAC] =	sst s0  }
0x9: {  	[smem:$0x3FAD] =	sst s1  }
0xa: {  	[smem:$0x3FAE] =	sst s2  }
0xb: {  	[smem:$0x3FAF] =	sst s3  }
0xc: {  	[smem:$0x3FB0] =	sst s4  }
0xd: {  	[smem:$0x3FB1] =	sst s5  }
0xe: {  	[smem:$0x3FB2] =	sst s6  }
0xf: {  	[smem:$0x3FB3] =	sst s7  }
0x10: {  	[smem:$0x3FB4] =	sst s8  }
0x11: {  	[smem:$0x3FB5] =	sst s9;
	s0 =	simm.s32 @!p0 $0x0  }
0x12: {  	s1 =	sld [smem:$0x3F9B];
	s0 =	simm.s32 @p0 $0x1  }
0x13: {  	[smem:$0x3FB6] =	sst s0;
	s0 =	simm.s32 @!p1 $0x0  }
0x14: {  	s2 =	sld [smem:$0x3F9A];
	s0 =	simm.s32 @p1 $0x1  }
0x15: {  	[smem:$0x3FB7] =	sst s0;
	s0 =	simm.s32 @!p2 $0x0  }
0x16: {  	s3 =	sld [smem:$0x3FDB];
	s0 =	simm.s32 @p2 $0x1  }
0x17: {  	s4 =	simm.s32 $0x1BF5;
	[smem:$0x3FB9] =	sst s0  }
0x18: {  	s0 =	sld [smem:$0x3F9C];
	_ =	swait.ge [sflag:s4], $0x0  }
0x19: {  	s7 =	sld [smem:$0x3F9D]  }
0x1a: {  	s8 =	sadd.s32 $0xFFFFE003, lr  }
0x1b: {  	s9 =	sadd.s32 $0xFFFFFEF7, lr;
	s5 =	simm.s32 $0xFFFFFFFF;
	p2 =	slt.u32 s8, $0xFFFFF086  }
0x1c: {  	p1 =	slt.u32 s9, $0xF7A;
	s5 =	simm.s32 @!p2 $0x0  }
0x1d: {  	s5 =	simm.s32 @p1 $0x1;
	p0 =	seq.s32 s7, s2  }
0x1e: {  	s7 =	smul.u32 @!p0 $0xF7A, s2;
	p2 =	seq.s32 @!p0 s5, $0x0  }
0x1f: {  	s9 =	smul.u32 $0xF7A, s1;
	s8 =	simm.s32 @!p0 $0x1BF5;
	p2 =	por !p2, p0  }
0x20: {  	[sflag:s8] =	ssyncset.s32 @!p0 $0xFFFFF086;
	s6 =	sadd.s32 @!p0 s3, s7;
	s7 =	simm.s32 @!p0 $0x108  }
0x21: {  	s3 =	sadd.s32 s3, s9;
	s6 =	sadd.s32 @!p0 $0x88, s6;
	s7 =	simm.s32 @p2 $0x1082  }
0x22: {  	[simem:s7], [sflag:s8] =	dma.local @!p0 [hbm:s6], $0xF7A  }
0x23: {  	s9 =	sor.u32 $0xD0000000, s2;
	s6 =	simm.s32 $0x108;
	_ =	swait.ge @!p0 [sflag:s8], $0x0  }
0x24: {  	s3 =	sadd.s32 $0x88, s3;
	s6 =	simm.s32 @!p1 $0x1082;
	[sflag:s4] =	ssyncset.s32 $0xFFFFF086  }
0x25: {  	[simem:s6], [sflag:s4] =	dma.local [hbm:s3], $0xF7A  }
0x26: {  	[smem:$0x3F9D] =	sst s1;
	(tag) =	ssettag s2;
	_ =	strace s9  }
0x27: {  	s1 =	sld [smem:$0x3FAD]  }
0x28: {  	s2 =	sld [smem:$0x3FAE]  }
0x29: {  	s4 =	sld [smem:$0x3FB0]  }
0x2a: {  	p0 =	seq.s32 s5, $0x0;
	s5 =	sld [smem:$0x3FB1]  }
0x2b: {  	s6 =	sld [smem:$0x3FB2]  }
0x2c: {  	s7 =	sld [smem:$0x3FB3]  }
0x2d: {  	s3 =	simm.s32 $0x108;
	s8 =	sld [smem:$0x3FB4]  }
0x2e: {  	s3 =	simm.s32 @!p0 $0x1082;
	s9 =	sld [smem:$0x3FB5]  }
0x2f: {  	lr =	sadd.s32 s0, s3;
	s0 =	sld [smem:$0x3FAC]  }
0x30: {  	s3 =	sld [smem:$0x3FAF]  }
0x31: {  	[smem:$0x3FB8] =	sst s10  }
0x32: {  	s10 =	sld [smem:$0x3FB6];
	_ =	sdelay $0x3  }
0x33: {  	p0 =	seq.s32 s10, $0x1;
	s10 =	sld [smem:$0x3FB8];
	_ =	sdelay $0x3  }
0x34: {  	[smem:$0x3FB8] =	sst s10  }
0x35: {  	s10 =	sld [smem:$0x3FB7];
	_ =	sdelay $0x3  }
0x36: {  	p1 =	seq.s32 s10, $0x1;
	s10 =	sld [smem:$0x3FB8];
	_ =	sdelay $0x3  }
0x37: {  	[smem:$0x3FB8] =	sst s10  }
0x38: {  	s10 =	sld [smem:$0x3FB9]  }
0x39: {  	_ = 	snop;
	(pc) =	sbr.ind lr, $3  }
0x3a: {  	_ = 	snop  }
0x3b: {  	_ = 	snop  }
0x3c: {  	p2 =	seq.s32 s10, $0x1;
	s10 =	sld [smem:$0x3FB8]  }
0x3d: {  	_ =	shalt  }
0x3e: {  	_ =	shalt  }
0x3f: {  	_ =	shalt  }
0x40: {  	_ =	shalt  }
0x41: {  	_ =	shalt  }
0x42: {  	_ =	shalt  }
0x43: {  	_ =	shalt  }
0x44: {  	_ =	shalt  }
0x45: {  	_ =	shalt  }
0x46: {  	_ =	shalt  }
0x47: {  	_ =	shalt  }
0x48: {  	_ =	shalt  }
0x49: {  	_ =	shalt  }
0x4a: {  	_ =	shalt  }
0x4b: {  	_ =	shalt  }
0x4c: {  	_ =	shalt  }
0x4d: {  	_ =	shalt  }
0x4e: {  	_ =	shalt  }
0x4f: {  	_ =	shalt  }
0x50: {  	_ =	shalt  }
0x51: {  	_ =	shalt  }
0x52: {  	_ =	shalt  }
0x53: {  	_ =	shalt  }
0x54: {  	_ =	shalt  }
0x55: {  	_ =	shalt  }
0x56: {  	_ =	shalt  }
0x57: {  	_ =	shalt  }
0x58: {  	_ =	shalt  }
0x59: {  	_ =	shalt  }
0x5a: {  	_ =	shalt  }
0x5b: {  	_ =	shalt  }
0x5c: {  	_ =	shalt  }
0x5d: {  	_ =	shalt  }
0x5e: {  	_ =	shalt  }
0x5f: {  	_ =	shalt  }
0x60: {  	_ =	shalt  }
0x61: {  	_ =	shalt  }
0x62: {  	_ =	shalt  }
0x63: {  	_ =	shalt  }
0x64: {  	_ =	shalt  }
0x65: {  	_ =	shalt  }
0x66: {  	_ =	shalt  }
0x67: {  	_ =	shalt  }
0x68: {  	_ =	shalt  }
0x69: {  	_ =	shalt  }
0x6a: {  	_ =	shalt  }
0x6b: {  	_ =	shalt  }
0x6c: {  	_ =	shalt  }
0x6d: {  	_ =	shalt  }
0x6e: {  	_ =	shalt  }
0x6f: {  	_ =	shalt  }
0x70: {  	_ =	shalt  }
0x71: {  	_ =	shalt  }
0x72: {  	_ =	shalt  }
0x73: {  	_ =	shalt  }
0x74: {  	_ =	shalt  }
0x75: {  	_ =	shalt  }
0x76: {  	_ =	shalt  }
0x77: {  	_ =	shalt  }
0x78: {  	_ =	shalt  }
0x79: {  	_ =	shalt  }
0x7a: {  	_ =	shalt  }
0x7b: {  	_ =	shalt  }
0x7c: {  	_ =	shalt  }
0x7d: {  	_ =	shalt  }
0x7e: {  	_ =	shalt  }
0x7f: {  	_ =	shalt  }
0x80: {  	_ =	shalt  }
0x81: {  	_ =	shalt  }
0x82: {  	_ =	shalt  }
0x83: {  	_ =	shalt  }
0x84: {  	_ =	shalt  }
0x85: {  	_ =	shalt  }
0x86: {  	_ =	shalt  }
0x87: {  	_ =	shalt  }
.Lfunc_end0:
.L_simem_size_0:
called_computation_lowered:
.L_overlay_start_0:
0x88: {  	s2 =	sld [smem:$0x3FD9]  }
0x89: {  	s3 =	sld [smem:$0x3FFE];
	_ =	sdelay $0x1  }
0x8a: {  	s1 =	srdreg.scid  }
0x8b: {  	s0 =	sand.u32 $0x1, s1  }
0x8c: {  	s17 =	sshll.u32 s0, $0xA;
	s2 =	sadd.s32 s3, s2  }
0x8d: {  	s2 =	sadd.s32 s2, s17  }
0x8e: {  	[smem:$0x3FC4] =	sst s2  }
0x8f: {  	_ = 	snop  }
0x90: {  	s2 =	sld [smem:$0x3FC9]  }
0x91: {  	s18 =	sld [smem:$0x3FC7]  }
0x92: {  	s4 =	sld [smem:$0x3FC6]  }
0x93: {  	s5 =	sld [smem:$0x3FD0];
	(tm) =	ssettm $0x1  }
0x94: {  	s6 =	sld [smem:$0x3FFB];
	_ =	sdelay $0x3  }
0x95: {  	_ =	strace s6  }
0x96: {  	s6 =	sld [smem:$0x3FFC];
	_ =	sdelay $0x3  }
0x97: {  	_ =	strace s6  }
0x98: {  	s6 =	sld [smem:$0x3FFD];
	_ =	sdelay $0x3  }
0x99: {  	_ =	strace s6  }
0x9a: {  	_ =	strace $0x8FFFFFFF  }
0x9b: {  	s19 =	sld [smem:$0x3FDB];
	_ =	sdelay $0x1  }
0x9c: {  	s7 =	simm.s32 $_scs_section_size  }
0x9d: {  	s8 =	simm.s32 $_size__tile_overlayer_lowered;
	s9 =	simm.s32 $_tile_overlayer_lowered  }
0x9e: {  	s22 =	simm.s32 $0x1BFF;
	s21 =	sshll.u32 s9, $0x1;
	s6 =	sadd.s32 s7, s19  }
0x9f: {  	s10 =	simm.s32 $0x0;
	s20 =	sshll.u32 s8, $0x1;
	s8 =	sadd.s32 s21, s6  }
0xa0: {  	[timem:s10], [sflag:s22] =	dma.local [hbm:s8], s20  }
0xa1: {  	_ =	swait.ge [sflag:s22], s20  }
0xa2: {  	s7 =	ssub.s32 $0x0, s20;
	[sflag:s22] =	ssyncset.done $0x0  }
0xa3: {  	[sflag:s22] =	ssyncadd.s32 s7;
	_ =	sdelay $0x1  }
0xa4: {  	s23 =	simm.s32 $0x1B8B  }
0xa5: {  	_ =	swait.ge [sflag:s23], $0x1  }
0xa6: {  	[sflag:s23] =	ssyncset.done $0x0  }
0xa7: {  	s25 =	simm.s32 $0x1B8E;
	s24 =	sld [smem:$0x3FFE];
	[sflag:s23] =	ssyncadd.s32 $0xFFFFFFFF  }
0xa8: {  	s26 =	simm.s32 $execute0_lowered;
	[smem:$0x3FD2] =	sst s25  }
0xa9: {  	s8 =	sshll.u32 s26, $0x1;
	_ =	strace $0x80000046;
	[dreg:$0x1] =	wrdreg $0xFFFFFFFF  }
0xaa: {  	s28 =	simm.s32 $_size_execute0_lowered;
	s6 =	sadd.s32 s6, s8;
	[dreg:$0x0] =	wrdreg $0x0  }
0xab: {  	s8 =	sshll.u32 s28, $0x1;
	[dreg:$0x2] =	wrdreg s6  }
0xac: {  	[dreg:$0x3] =	wrdreg s8  }
0xad: {  	[dreg:$0x4] =	wrdreg $0xC0  }
0xae: {  	_ =	task [dreg:s10], $0x5FFFF  }
0xaf: {  	[dreg:$0x1] =	wrdreg $0xFFFFFFFF  }
0xb0: {  	[dreg:$0x0] =	wrdreg $0x60  }
0xb1: {  	[dreg:$0x2] =	wrdreg s2  }
0xb2: {  	[dreg:$0x3] =	wrdreg s24  }
0xb3: {  	[dreg:$0x4] =	wrdreg s18  }
0xb4: {  	[dreg:$0x5] =	wrdreg s4  }
0xb5: {  	[dreg:$0x6] =	wrdreg s5  }
0xb6: {  	[dreg:$0x7] =	wrdreg $0x9  }
0xb7: {  	_ =	task.clear_ibuf [dreg:s10], $0x8FFFF;
	_ =	strace $0x90000046  }
0xb8: {  	s29 =	simm.s32 $0x9;
	_ =	strace $0x80000048  }
0xb9: {  	_ =	swait.ge [sflag:s29], $0x1  }
0xba: {  	[sflag:s29] =	ssyncadd.s32 $0xFFFFFFFF  }
0xbb: {  	_ =	strace $0x90000048  }
0xbc: {  	_ =	sfence  }
0xbd: {  	s30 =	sld [smem:$0x0];
	_ =	sdelay $0x2  }
0xbe: {  	s31 =	sshll.u32 s1, $0xD;
	s1 =	sshrl.u32 s1, $0x2  }
0xbf: {  	s3 =	sand.u32 $0x4000, s31;
	s1 =	sadd.s32 s1, s30  }
0xc0: {  	s0 =	sor.u32 s3, s0;
	s1 =	sshll.u32 s1, $0x11  }
0xc1: {  	s0 =	sor.u32 s1, s0  }
0xc2: {  	s0 =	sadd.s32 $0x8F2B, s0  }
0xc3: {  	[sflag:s0] =	ssyncadd.remote.s32 $0x1  }
0xc4: {  	_ =	sfence.sel $0xFFFF  }
0xc5: {  	[dreg:$0x0] =	wrdreg $0xFFFFFFFF;
	(pc) =	sbr.abs _section_cstart, $3  }
0xc6: {  	[dreg:$0x1] =	wrdreg $0xFFFFFFFF  }
0xc7: {  	_ =	task.clear_ibuf [dreg:s10], $0x2FFFF;
	_ =	strace $0x9FFFFFFF  }
0xc8: {  	(tm) =	ssettm $0x7FFFFFFF  }
0xc9: {  	_ =	shalt  }
tec
execute0_lowered:
.L_overlay_start_1:
0x0: {  	(tag) =	ssettag $0x1  }
0x1: {  	v0 =	vlaneseq.u32;
	v3 =	vimm.s32 $0x183  }
0x2: {  	vm0 =	vcmask $0x300;
	v4 =	vimm.s32 $0x187;
	vm1 =	vcmask $0x704  }
0x3: {  	vm15 =	vcmask $0xB08;
	vm4 =	vcmask $0xF0C;
	vm5 =	vcmask $0x1310  }
0x4: {  	vm6 =	vcmask $0x1714;
	v3 =	vsel vm0, $0x0, v3;
	v4 =	vsel vm0, $0x4, v4  }
0x5: {  	s0 =	rddreg [dreg:$0x0];
	vm7 =	vcmask $0x1B18;
	v3 =	vsel vm1, $0x80, v3;
	v4 =	vsel vm1, $0x84, v4  }
0x6: {  	s4 =	rddreg [dreg:$0x1];
	vm8 =	vcmask $0x1F1C;
	v3 =	vsel vm15, $0x100, v3;
	v4 =	vsel vm15, $0x104, v4  }
0x7: {  	s5 =	rddreg [dreg:$0x2];
	vm9 =	vcmask $0x2320;
	v3 =	vsel vm4, $0x180, v3;
	v4 =	vsel vm4, $0x184, v4  }
0x8: {  	s6 =	rddreg [dreg:$0x3];
	vm10 =	vcmask $0x2724;
	v3 =	vsel vm5, $0x1, v3;
	v4 =	vsel vm5, $0x5, v4  }
0x9: {  	s7 =	rddreg [dreg:$0x4];
	vm11 =	vcmask $0x2B28;
	v3 =	vsel vm6, $0x81, v3;
	v4 =	vsel vm6, $0x85, v4  }
0xa: {  	s1 =	rddreg [dreg:$0x5];
	s2 =	simm.s32 $0x0;
	s8 =	srdreg.scid;
	vm12 =	vcmask $0x2F2C;
	v3 =	vsel vm7, $0x101, v3;
	v4 =	vsel vm7, $0x105, v4  }
0xb: {  	s3 =	stileid.u32;
	vm13 =	vcmask $0x3330;
	s12 =	simm.s32 $0x80A0;
	s13 =	simm.s32 $0x2;
	v3 =	vsel vm8, $0x181, v3;
	v4 =	vsel vm8, $0x185, v4  }
0xc: {  	vm14 =	vcmask $0x3734;
	s14 =	simm.s32 $0x1;
	s15 =	simm.s32 $0x8120;
	s16 =	simm.s32 $0x0;
	v3 =	vsel vm9, $0x2, v3;
	v4 =	vsel vm9, $0x6, v4  }
0xd: {  	v2 =	vand.u32 $0x3, v0;
	[smem:$0x7FF] =	sst s2;
	s8 =	sand.u32 $0x1, s8;
	s10 =	sshll.u32 s3, $0x1;
	v3 =	vsel vm10, $0x82, v3;
	v4 =	vsel vm10, $0x86, v4  }
0xe: {  	v0 =	vshrl.u32 v0, $0x2;
	s4 =	sadd.s32 $0x600, s4;
	s9 =	ssub.s32 $0x2, s8;
	s8 =	sor.u32 s8, s10;
	v3 =	vsel vm11, $0x102, v3;
	v4 =	vsel vm11, $0x106, v4  }
0xf: {  	v1 =	vmul.u32 $0x80, v2;
	_ =	strace $0x80000047;
	s11 =	sshrl.u32 s9, $0x1;
	s10 =	sshll.u32 s8, $0x4;
	v3 =	vsel vm12, $0x182, v3;
	v4 =	vsel vm12, $0x186, v4  }
0x10: {  	v2 =	vmul.u32 $0x8, v2;
	s8 =	sshll.u32 s8, $0x6;
	s9 =	ssub.s32 s9, s11;
	s5 =	sadd.s32 s5, s10;
	v3 =	vsel vm13, $0x3, v3;
	v4 =	vsel vm13, $0x7, v4  }
0x11: {  	vm15 =	vcmask $0x3B38;
	s6 =	sadd.s32 s6, s10;
	s7 =	sadd.s32 s7, s8;
	s10 =	simm.s32 $0x8020;
	v3 =	vsel vm14, $0x83, v3;
	v5 =	vsel vm14, $0x87, v4  }
0x12: {  	s11 =	simm.s32 $0x3;
	s8 =	smax.u32 s9, $0x1;
	s9 =	simm.s32 $0x8000;
	v4 =	vor.u32 $0x4, v0;
	v3 =	vsel vm15, $0x103, v3;
	v5 =	vsel vm15, $0x107, v5  }
.LBB2_1:
0x13: {  	[tilespmem:s2], [sflag:$0x1] =	stream.linear.gather [hbm4b:s0+s2], $0x8000, $0x38;
	[tilespmem:$0x8320] =	vst v63  }
0x14: {  	_ = 	snop  }
0x15: {  	[tilespmem:s9], [sflag:$0x2] =	stream.linear.gather [hbm4b:s4+s2], $0x20, $0x38;
	[tilespmem:$0x8320] =	vst v63  }
0x16: {  	_ = 	snop  }
0x17: {  	[tilespmem:s10], [sflag:$0x3] =	stream.linear.gather [hbm4b:s5+s2], $0x80, $0x38;
	[tilespmem:$0x8320] =	vst v63  }
0x18: {  	_ =	swait.ge [sflag:s11], $0x80  }
0x19: {  	[sflag:s11] =	ssyncset.done $0x0  }
0x1a: {  	[sflag:s11] =	ssyncadd.s32 $0xFFFFFF80  }
0x1b: {  	v6 =	vmov s2;
	[tilespmem:s12], [sflag:$0x3] =	stream.linear.gather [hbm4b:s6+s2], $0x80, $0x38;
	[tilespmem:$0x8320] =	vst v63  }
0x1c: {  	v6 =	vshrl.u32 v6, $0x3;
	_ =	swait.ge [sflag:s11], $0x80  }
0x1d: {  	v6 =	vshll.u32 v6, $0x3;
	[sflag:s11] =	ssyncset.done $0x0  }
0x1e: {  	v13 =	vbroadcast v6, $0x0;
	[sflag:s11] =	ssyncadd.s32 $0xFFFFFF80  }
0x1f: {  	_ =	swait.ge [sflag:s13], $0x20  }
0x20: {  	v6 =	vor.u32 v4, v13;
	[sflag:s13] =	ssyncset.done $0x0  }
0x21: {  	[sflag:s13] =	ssyncadd.s32 $0xFFFFFFE0  }
0x22: {  	_ =	swait.ge [sflag:s14], $0x8000  }
0x23: {  	[sflag:s14] =	ssyncset.done $0x0  }
0x24: {  	[sflag:s14] =	ssyncadd.s32 $0xFFFF8000  }
0x25: {  	s17 =	simm.s32 $0x8;
	v7 =	vld.idx.msk [tilespmem:v6+s10+$0x0], $0xffff  }
0x26: {  	v8 =	vmov s17;
	v6 =	vld.idx.msk [tilespmem:v6+s12+$0x0], $0xffff  }
0x27: {  	v8 =	vshrl.u32 v8, $0x3  }
0x28: {  	v8 =	vshll.u32 v8, $0x3;
	v9 =	vor.u32 v0, v13  }
0x29: {  	v15 =	vbroadcast v8, $0x0  }
0x2a: {  	v8 =	vshll.u32 v7, $0x2  }
0x2b: {  	v10 =	vor.u32 v4, v15;
	v11 =	vshll.u32 v6, $0xC;
	v8 =	vand.u32 $0xFFFFFE00, v8  }
0x2c: {  	v7 =	vand.u32 $0x7F, v7;
	v8 =	vadd.s32 v11, v8  }
0x2d: {  	v6 =	vadd.s32 v2, v6;
	v7 =	vor.u32 v7, v8;
	v8 =	vld.idx.msk [tilespmem:v9+s10+$0x0], $0xffff  }
0x2e: {  	v9 =	vld.idx.msk [tilespmem:v9+s12+$0x0], $0xffff;
	v7 =	vor.u32 v1, v7;
	_ =	sdelay $0x1  }
0x2f: {  	v11 =	vld.idx.msk [tilespmem:v10+s12+$0x0], $0xffff  }
0x30: {  	s28 =	simm.s32 $0x10;
	v10 =	vld.idx.msk [tilespmem:v10+s10+$0x0], $0xffff  }
0x31: {  	v17 =	vmov s28;
	v12 =	vld.idx.msk [tilespmem:v6+s9+$0x0], $0xffff;
	v6 =	vshll.u32 v8, $0x2  }
0x32: {  	v14 =	vor.u32 v0, v15;
	v16 =	vshll.u32 v9, $0xC;
	v7 =	vld.idx.msk [tilespmem:v7+s2+$0x0], $0xffff;
	v6 =	vand.u32 $0xFFFFFE00, v6  }
0x33: {  	v8 =	vand.u32 $0x7F, v8;
	v6 =	vadd.s32 v16, v6;
	v16 =	vshrl.u32 v17, $0x3  }
0x34: {  	v9 =	vadd.s32 v2, v9;
	v6 =	vor.u32 v8, v6;
	v8 =	vshll.u32 v16, $0x3  }
0x35: {  	v16 =	vor.u32 v1, v6;
	v6 =	vbroadcast v8, $0x0  }
0x36: {  	v17 =	vshll.u32 v11, $0xC;
	v8 =	vshll.u32 v10, $0x2  }
0x37: {  	v8 =	vand.u32 $0xFFFFFE00, v8;
	v7 =	vadd.f32 v12, v7;
	v12 =	vor.u32 v4, v6  }
0x38: {  	v10 =	vand.u32 $0x7F, v10;
	v8 =	vadd.s32 v17, v8;
	v17 =	vld.idx.msk [tilespmem:v14+s10+$0x0], $0xffff  }
0x39: {  	v9 =	vld.idx.msk [tilespmem:v9+s9+$0x0], $0xffff;
	v8 =	vor.u32 v10, v8;
	v10 =	vadd.s32 v2, v11;
	v7 =	vadd.f32 v7, v7  }
0x3a: {  	v11 =	vld.idx.msk [tilespmem:v14+s12+$0x0], $0xffff;
	v8 =	vor.u32 v1, v8  }
0x3b: {  	v14 =	vld.idx.msk [tilespmem:v16+s2+$0x0], $0xffff;
	v7 =	vmul.f32 $1.442695020e+00, v7  }
0x3c: {  	v16 =	vld.idx.msk [tilespmem:v12+s10+$0x0], $0xffff  }
0x3d: {  	s29 =	simm.s32 $0x18;
	v18 =	vshll.u32 v17, $0x2;
	v20 =	vld.idx.msk [tilespmem:v12+s12+$0x0], $0xffff;
	(erf) = vpow2.f32 v7  }
0x3e: {  	v7 =	vld.idx.msk [tilespmem:v10+s9+$0x0], $0xffff;
	v12 =	vand.u32 $0xFFFFFE00, v18;
	v18 =	vmov s29  }
0x3f: {  	v10 =	vor.u32 v0, v6;
	v19 =	vshll.u32 v11, $0xC;
	v8 =	vld.idx.msk [tilespmem:v8+s2+$0x0], $0xffff;
	v18 =	vshrl.u32 v18, $0x3  }
0x40: {  	v17 =	vand.u32 $0x7F, v17;
	v12 =	vadd.s32 v19, v12;
	v18 =	vshll.u32 v18, $0x3  }
0x41: {  	v11 =	vadd.s32 v2, v11;
	v17 =	vor.u32 v17, v12;
	v12 =	vbroadcast v18, $0x0  }
0x42: {  	v9 =	vadd.f32 v9, v14;
	v14 =	vor.u32 v1, v17;
	v17 =	vshll.u32 v16, $0x2  }
0x43: {  	v19 =	vor.u32 v4, v12;
	v17 =	vand.u32 $0xFFFFFE00, v17  }
0x44: {  	v18 =	vld.idx.msk [tilespmem:v10+s10+$0x0], $0xffff;
	v7 =	vadd.f32 v7, v8  }
0x45: {  	v10 =	vld.idx.msk [tilespmem:v10+s12+$0x0], $0xffff;
	v8 =	vshll.u32 v20, $0xC  }
0x46: {  	v16 =	vand.u32 $0x7F, v16;
	v11 =	vld.idx.msk [tilespmem:v11+s9+$0x0], $0xffff;
	v8 =	vadd.s32 v8, v17;
	v7 =	vadd.f32 v7, v7;
	v17 =	vpop (erf)  }
0x47: {  	v8 =	vor.u32 v16, v8;
	v16 =	vadd.s32 v2, v20;
	v14 =	vld.idx.msk [tilespmem:v14+s2+$0x0], $0xffff;
	v17 =	vadd.f32 $1.000000000e+00, v17  }
0x48: {  	v9 =	vadd.f32 v9, v9;
	v20 =	vor.u32 v1, v8;
	v21 =	vmul.f32 $1.442695020e+00, v7;
	v22 =	vld.idx.msk [tilespmem:v19+s12+$0x0], $0xffff  }
0x49: {  	v19 =	vld.idx.msk [tilespmem:v19+s10+$0x0], $0xffff;
	(erf) = vrcp.f32 v17  }
0x4a: {  	v23 =	vor.u32 v0, v12;
	v9 =	vmul.f32 $1.442695020e+00, v9;
	(erf) = vpow2.f32 v21  }
0x4b: {  	v24 =	vadd.s32 v2, v10;
	v17 =	vshll.u32 v18, $0x2;
	v18 =	vand.u32 $0x7F, v18  }
0x4c: {  	s30 =	simm.s32 $0x20;
	v21 =	vshll.u32 v10, $0xC;
	v17 =	vand.u32 $0xFFFFFE00, v17;
	v16 =	vld.idx.msk [tilespmem:v16+s9+$0x0], $0xffff;
	v14 =	vadd.f32 v11, v14  }
0x4d: {  	v17 =	vadd.s32 v21, v17;
	v21 =	vmov s30;
	v20 =	vld.idx.msk [tilespmem:v20+s2+$0x0], $0xffff;
	(erf) = vpow2.f32 v9  }
0x4e: {  	v10 =	vshrl.u32 v21, $0x3;
	v17 =	vor.u32 v18, v17;
	v9 =	vshll.u32 v19, $0x2  }
0x4f: {  	v25 =	vshll.u32 v22, $0xC;
	v11 =	vshll.u32 v10, $0x3;
	v9 =	vand.u32 $0xFFFFFE00, v9  }
0x50: {  	v17 =	vor.u32 v1, v17;
	v11 =	vbroadcast v11, $0x0;
	v25 =	vadd.s32 v25, v9  }
0x51: {  	v26 =	vadd.s32 v5, v13;
	v8 =	vor.u32 v3, v13;
	v18 =	vld.idx.msk [tilespmem:v23+s10+$0x0], $0xffff  }
0x52: {  	v19 =	vand.u32 $0x7F, v19;
	v21 =	vor.u32 v4, v11;
	v16 =	vadd.f32 v16, v20;
	v20 =	vpop (erf)  }
0x53: {  	v7 =	vor.u32 v3, v15;
	v14 =	vadd.f32 v14, v14;
	v23 =	vld.idx.msk [tilespmem:v23+s12+$0x0], $0xffff;
	v19 =	vor.u32 v19, v25;
	v25 =	vpop (erf)  }
0x54: {  	v24 =	vld.idx.msk [tilespmem:v24+s9+$0x0], $0xffff;
	v19 =	vor.u32 v1, v19;
	v16 =	vadd.f32 v16, v16;
	v25 =	vadd.f32 $1.000000000e+00, v25  }
0x55: {  	v22 =	vadd.s32 v2, v22;
	v28 =	vor.u32 v0, v11;
	v17 =	vld.idx.msk [tilespmem:v17+s2+$0x0], $0xffff;
	v13 =	vadd.f32 v20, v20  }
0x56: {  	v20 =	vshll.u32 v18, $0x2;
	v16 =	vmul.f32 $1.442695020e+00, v16;
	(erf) = vrcp.f32 v25  }
0x57: {  	v15 =	vadd.s32 v5, v15;
	v14 =	vmul.f32 $1.442695020e+00, v14;
	v20 =	vand.u32 $0xFFFFFE00, v20;
	v27 =	vld.idx.msk [tilespmem:v21+s12+$0x0], $0xffff  }
0x58: {  	v21 =	vld.idx.msk [tilespmem:v21+s10+$0x0], $0xffff;
	v25 =	vsub.f32 $1.000000000e+00, v13;
	v13 =	vshll.u32 v23, $0xC;
	(erf) = vpow2.f32 v16  }
0x59: {  	s31 =	simm.s32 $0x28;
	v19 =	vld.idx.msk [tilespmem:v19+s2+$0x0], $0xffff;
	v23 =	vadd.s32 v2, v23;
	v13 =	vadd.s32 v13, v20;
	v16 =	vand.u32 $0x7F, v18  }
0x5a: {  	v18 =	vld.idx.msk [tilespmem:v22+s9+$0x0], $0xffff;
	v17 =	vadd.f32 v24, v17;
	v20 =	vmov s31;
	v22 =	vpop (erf);
	v13 =	vor.u32 v16, v13  }
0x5b: {  	v24 =	vld.idx.msk [tilespmem:v28+s10+$0x0], $0xffff;
	v16 =	vshrl.u32 v20, $0x3;
	v20 =	vadd.f32 $1.000000000e+00, v22;
	(erf) = vpow2.f32 v14  }
0x5c: {  	v28 =	vld.idx.msk [tilespmem:v28+s12+$0x0], $0xffff;
	v17 =	vadd.f32 v17, v17;
	v16 =	vshll.u32 v16, $0x3;
	v22 =	vor.u32 v1, v13  }
0x5d: {  	v10 =	vor.u32 v3, v6;
	v14 =	vbroadcast v16, $0x0;
	(erf) = vrcp.f32 v20  }
0x5e: {  	v29 =	vshll.u32 v27, $0xC;
	v16 =	vmul.f32 $1.442695020e+00, v17;
	v17 =	vshll.u32 v21, $0x2  }
0x5f: {  	v30 =	vld.idx.msk [tilespmem:v23+s9+$0x0], $0xffff;
	v21 =	vand.u32 $0x7F, v21;
	v23 =	vadd.s32 v2, v27;
	v18 =	vadd.f32 v18, v19;
	v19 =	vpop (erf)  }
0x60: {  	v20 =	vor.u32 v4, v14;
	v17 =	vand.u32 $0xFFFFFE00, v17;
	v19 =	vadd.f32 v19, v19  }
0x61: {  	[tilespmem:v26+s15+$0x0] =	vst.idx.msk $0xffff, v25;
	v25 =	vshll.u32 v28, $0xC;
	v26 =	vshll.u32 v24, $0x2;
	v17 =	vadd.s32 v29, v17;
	v63 =	vld.idx.msk [tilespmem:v22+s2+$0x0], $0xffff;
	v22 =	vpop (erf)  }
0x62: {  	v17 =	vor.u32 v21, v17;
	v22 =	vadd.f32 $1.000000000e+00, v22;
	v27 =	vsub.f32 $1.000000000e+00, v19  }
0x63: {  	v26 =	vand.u32 $0xFFFFFE00, v26;
	v18 =	vadd.f32 v18, v18;
	v21 =	vor.u32 v1, v17  }
0x64: {  	v19 =	vor.u32 v0, v14;
	[tilespmem:v15+s15+$0x0] =	vst.idx.msk $0xffff, v27;
	v15 =	vadd.s32 v25, v26  }
0x65: {  	v9 =	vor.u32 v3, v12;
	v31 =	vmul.f32 $1.442695020e+00, v18;
	v23 =	vld.idx.msk [tilespmem:v23+s9+$0x0], $0xffff;
	(erf) = vrcp.f32 v22  }
0x66: {  	v13 =	vor.u32 v3, v11;
	v24 =	vand.u32 $0x7F, v24;
	v18 =	vadd.s32 v2, v28;
	v17 =	vld.idx.msk [tilespmem:v20+s12+$0x0], $0xffff;
	v22 =	vpop (erf)  }
0x67: {  	s18 =	simm.s32 $0x30;
	s17 =	simm.s32 $0xA;
	v20 =	vld.idx.msk [tilespmem:v20+s10+$0x0], $0xffff;
	(erf) = vpow2.f32 v31;
	v25 =	vor.u32 v24, v15;
	v24 =	vadd.f32 v30, v63;
	v15 =	vpop (erf)  }
.LBB2_2:
0x68: {  	v26 =	vmov s18;
	v25 =	vor.u32 v1, v25;
	v21 =	vld.idx.msk [tilespmem:v21+s2+$0x0], $0xffff;
	(erf) = vpow2.f32 v16;
	v27 =	vmovc v11;
	v11 =	vmovc v14  }
0x69: {  	v22 =	vadd.f32 $1.000000000e+00, v22;
	v14 =	vshrl.u32 v26, $0x3;
	v26 =	vld.idx.msk [tilespmem:v19+s10+$0x0], $0xffff;
	v16 =	vadd.f32 v24, v24  }
0x6a: {  	v15 =	vadd.f32 v15, v15;
	v28 =	vor.u32 v3, v11;
	v14 =	vshll.u32 v14, $0x3;
	v24 =	vld.idx.msk [tilespmem:v19+s12+$0x0], $0xffff  }
0x6b: {  	v14 =	vbroadcast v14, $0x0;
	v29 =	vld.idx.msk [tilespmem:v18+s9+$0x0], $0xffff;
	v16 =	vmul.f32 $1.442695020e+00, v16  }
0x6c: {  	s17 =	sadd.s32 $0x2, s17;
	v15 =	vsub.f32 $1.000000000e+00, v15;
	(erf) = vrcp.f32 v22  }
0x6d: {  	p0 =	slt.u32 s17, $0x1E;
	v19 =	vshll.u32 v20, $0x2;
	v18 =	vor.u32 v4, v14;
	v30 =	vld.idx.msk [tilespmem:v25+s2+$0x0], $0xffff;
	v25 =	vadd.s32 v5, v6;
	v6 =	vmovc v12  }
0x6e: {  	v19 =	vand.u32 $0xFFFFFE00, v19;
	v12 =	vshll.u32 v17, $0xC;
	v21 =	vadd.f32 v23, v21;
	v22 =	vpop (erf);
	[tilespmem:v8+s15+$0x0] =	vst.idx.msk $0xffff, v15  }
0x6f: {  	v12 =	vadd.s32 v12, v19;
	v15 =	vand.u32 $0x7F, v20;
	v8 =	vmovc v7;
	v7 =	vmovc v10;
	v19 =	vadd.f32 v22, v22  }
0x70: {  	v33 =	vor.u32 v15, v12;
	v15 =	vadd.s32 v2, v17;
	v12 =	vadd.f32 v21, v21;
	v17 =	vpop (erf)  }
.Ltmp0:
0x71: {  	v21 =	vor.u32 v1, v33;
	v20 =	vadd.f32 $1.000000000e+00, v17;
	v23 =	vsub.f32 $1.000000000e+00, v19;
	v22 =	vpop (erf);
	(pc) =	sbr.rel @p0 .LBB2_2-.Ltmp0, $4  }
0x72: {  	v32 =	vshll.u32 v26, $0x2;
	v10 =	vmovc v9;
	v9 =	vmovc v13;
	v31 =	vshll.u32 v24, $0xC;
	v19 =	vor.u32 v0, v14  }
0x73: {  	v13 =	vmovc v28;
	v32 =	vand.u32 $0xFFFFFE00, v32;
	v33 =	vmul.f32 $1.442695020e+00, v12;
	v17 =	vld.idx.msk [tilespmem:v18+s12+$0x0], $0xffff;
	(erf) = vrcp.f32 v20;
	[tilespmem:v25+s15+$0x0] =	vst.idx.msk $0xffff, v23  }
0x74: {  	v23 =	vadd.s32 v31, v32;
	v25 =	vand.u32 $0x7F, v26;
	v12 =	vmovc v27;
	v20 =	vld.idx.msk [tilespmem:v18+s10+$0x0], $0xffff;
	v18 =	vadd.s32 v2, v24  }
0x75: {  	s18 =	sadd.s32 $0x8, s18;
	v25 =	vor.u32 v25, v23;
	v24 =	vadd.f32 v29, v30;
	v23 =	vld.idx.msk [tilespmem:v15+s9+$0x0], $0xffff;
	(erf) = vpow2.f32 v33;
	v15 =	vpop (erf)  }
0x76: {  	_ =	sdelay $0x3  }
0x77: {  	v21 =	vld.idx.msk [tilespmem:v21+s2+$0x0], $0xffff;
	_ =	sdelay $0x3  }
0x78: {  	v26 =	vshll.u32 v20, $0x2  }
0x79: {  	v27 =	vshll.u32 v17, $0xC;
	v26 =	vand.u32 $0xFFFFFE00, v26;
	v21 =	vadd.f32 v23, v21  }
0x7a: {  	v22 =	vadd.f32 $1.000000000e+00, v22;
	v58 =	vand.u32 $0x7F, v20;
	v26 =	vadd.s32 v27, v26;
	v57 =	vpop (erf)  }
0x7b: {  	v59 =	vadd.s32 v2, v17;
	v20 =	vor.u32 v58, v26;
	v21 =	vadd.f32 v21, v21;
	v60 =	vpop (erf)  }
0x7c: {  	(erf) = vpow2.f32 v16;
	v61 =	vor.u32 v1, v20;
	v62 =	vadd.f32 $1.000000000e+00, v60  }
0x7d: {  	(erf) = vrcp.f32 v22;
	v21 =	vmul.f32 $1.442695020e+00, v21  }
0x7e: {  	v63 =	vld.idx.msk [tilespmem:v19+s10+$0x0], $0xffff;
	(erf) = vrcp.f32 v62  }
0x7f: {  	v30 =	vld.idx.msk [tilespmem:v19+s12+$0x0], $0xffff;
	(erf) = vpow2.f32 v21  }
0x80: {  	v17 =	vld.idx.msk [tilespmem:v59+s9+$0x0], $0xffff  }
0x81: {  	v16 =	vld.idx.msk [tilespmem:v61+s2+$0x0], $0xffff;
	_ =	sdelay $0x2  }
0x82: {  	v32 =	vor.u32 v1, v25  }
0x83: {  	v31 =	vadd.f32 v24, v24;
	v34 =	vshll.u32 v63, $0x2;
	v35 =	vshll.u32 v30, $0xC;
	v33 =	vpop (erf)  }
0x84: {  	v19 =	vadd.s32 v2, v30;
	v25 =	vand.u32 $0xFFFFFE00, v34;
	v36 =	vpop (erf);
	v16 =	vadd.f32 v17, v16  }
0x85: {  	v20 =	vmul.f32 $1.442695020e+00, v31;
	v37 =	vadd.s32 v35, v25;
	v22 =	vand.u32 $0x7F, v63;
	v38 =	vpop (erf)  }
0x86: {  	v39 =	vadd.f32 $1.000000000e+00, v33;
	v17 =	vor.u32 v22, v37;
	v16 =	vadd.f32 v16, v16;
	v40 =	vpop (erf)  }
0x87: {  	(erf) = vpow2.f32 v20;
	v17 =	vor.u32 v1, v17;
	v41 =	vadd.f32 $1.000000000e+00, v40  }
0x88: {  	v18 =	vld.idx.msk [tilespmem:v18+s9+$0x0], $0xffff;
	(erf) = vrcp.f32 v39;
	v16 =	vmul.f32 $1.442695020e+00, v16  }
0x89: {  	v21 =	vld.idx.msk [tilespmem:v32+s2+$0x0], $0xffff;
	(erf) = vrcp.f32 v41  }
0x8a: {  	(erf) = vpow2.f32 v16  }
0x8b: {  	v42 =	vld.idx.msk [tilespmem:v19+s9+$0x0], $0xffff  }
0x8c: {  	v17 =	vld.idx.msk [tilespmem:v17+s2+$0x0], $0xffff;
	_ =	sdelay $0x1  }
0x8d: {  	v18 =	vadd.f32 v18, v21;
	_ =	sdelay $0x1  }
0x8e: {  	v18 =	vadd.f32 v18, v18;
	v43 =	vpop (erf)  }
0x8f: {  	v44 =	vpop (erf);
	v16 =	vadd.f32 v42, v17  }
0x90: {  	v18 =	vmul.f32 $1.442695020e+00, v18;
	v20 =	vpop (erf)  }
0x91: {  	v19 =	vadd.f32 $1.000000000e+00, v43;
	v16 =	vadd.f32 v16, v16;
	v45 =	vpop (erf)  }
0x92: {  	(erf) = vpow2.f32 v18;
	v46 =	vadd.f32 $1.000000000e+00, v45  }
0x93: {  	(erf) = vrcp.f32 v19;
	v16 =	vmul.f32 $1.442695020e+00, v16  }
0x94: {  	(erf) = vrcp.f32 v46  }
0x95: {  	(erf) = vpow2.f32 v16;
	_ =	sdelay $0x5  }
0x96: {  	v47 =	vpop (erf)  }
0x97: {  	v48 =	vpop (erf)  }
0x98: {  	v49 =	vpop (erf)  }
0x99: {  	v16 =	vadd.f32 $1.000000000e+00, v47;
	v50 =	vpop (erf)  }
0x9a: {  	v21 =	vadd.f32 $1.000000000e+00, v50  }
0x9b: {  	(erf) = vrcp.f32 v16  }
0x9c: {  	(erf) = vrcp.f32 v21  }
0x9d: {  	v15 =	vadd.f32 v15, v15;
	v6 =	vadd.s32 v5, v6  }
0x9e: {  	v51 =	vadd.f32 v57, v57  }
0x9f: {  	v12 =	vadd.s32 v5, v12;
	v15 =	vsub.f32 $1.000000000e+00, v15;
	v52 =	vadd.f32 v36, v36  }
0xa0: {  	v53 =	vadd.f32 v38, v38;
	v16 =	vsub.f32 $1.000000000e+00, v51  }
0xa1: {  	v11 =	vadd.s32 v5, v11;
	[tilespmem:v8+s15+$0x0] =	vst.idx.msk $0xffff, v15;
	v54 =	vsub.f32 $1.000000000e+00, v52;
	v55 =	vadd.f32 v44, v44  }
0xa2: {  	v56 =	vadd.f32 v20, v20;
	[tilespmem:v6+s15+$0x0] =	vst.idx.msk $0xffff, v16;
	v6 =	vsub.f32 $1.000000000e+00, v53  }
0xa3: {  	v58 =	vadd.s32 v5, v14;
	[tilespmem:v7+s15+$0x0] =	vst.idx.msk $0xffff, v54;
	v7 =	vsub.f32 $1.000000000e+00, v55;
	v57 =	vadd.f32 v48, v48  }
0xa4: {  	[tilespmem:v12+s15+$0x0] =	vst.idx.msk $0xffff, v6;
	v6 =	vsub.f32 $1.000000000e+00, v56;
	v59 =	vadd.f32 v49, v49;
	v60 =	vpop (erf)  }
0xa5: {  	v61 =	vor.u32 v3, v14;
	[tilespmem:v10+s15+$0x0] =	vst.idx.msk $0xffff, v7;
	v7 =	vsub.f32 $1.000000000e+00, v57;
	v62 =	vadd.f32 v60, v60;
	v63 =	vpop (erf)  }
0xa6: {  	[tilespmem:v11+s15+$0x0] =	vst.idx.msk $0xffff, v6;
	v6 =	vsub.f32 $1.000000000e+00, v59;
	v10 =	vadd.f32 v63, v63  }
0xa7: {  	[tilespmem:v9+s15+$0x0] =	vst.idx.msk $0xffff, v7;
	v7 =	vsub.f32 $1.000000000e+00, v62  }
0xa8: {  	s16 =	sadd.s32 $0x1, s16;
	[tilespmem:v58+s15+$0x0] =	vst.idx.msk $0xffff, v6;
	v6 =	vsub.f32 $1.000000000e+00, v10  }
0xa9: {  	p0 =	sne.s32 s16, s8;
	[tilespmem:v13+s15+$0x0] =	vst.idx.msk $0xffff, v7  }
.Ltmp1:
0xaa: {  	[tilespmem:v61+s15+$0x0] =	vst.idx.msk $0xffff, v6;
	(pc) =	sbr.rel @p0 .LBB2_1-.Ltmp1, $4  }
0xab: {  	[hbm4b:s7+s2] =	stream.linear.scatter [tilespmem:s15], [sflag:$0x3], $0x200, $0x38;
	[tilespmem:$0x8320] =	vst v63  }
0xac: {  	_ =	swait.ge [sflag:s11], $0x200  }
0xad: {  	[sflag:s11] =	ssyncset.done $0x0  }
0xae: {  	[sflag:s11] =	ssyncadd.s32 $0xFFFFFE00  }
0xaf: {  	_ =	sfence.sel $0x180000  }
0xb0: {  	[bflag:$0x0] =	sbarrier.arrive $0xFFFF  }
0xb1: {  	p0 =	sne.s32 s3, $0x0;
	_ =	strace $0x90000047  }
0xb2: {  	s0 =	sadd.s32 @!p0 $0x100000, s1;
	[bflag:$0x2] =	sbarrier.arrive $0xFFFF  }
0xb3: {  	[sflag:s0] =	ssyncadd.tile.s32 @!p0 $0x1;
	_ =	shalt  }
.Lfunc_end2:
_tile_overlayer_lowered:
.L_overlay_start_2:
0xb4: {  	(tag) =	ssettag $0x2  }
0xb5: {  	s0 =	rddreg [dreg:$0x0];
	s2 =	stileid.u32  }
0xb6: {  	s1 =	rddreg [dreg:$0x1];
	p0 =	sne.s32 s2, $0x0  }
0xb7: {  	s3 =	rddreg [dreg:$0x2];
	[bflag:$0x3] =	sbarrier.arrive $0xFFFF;
	s2 =	simm.s32 @!p0 $0x1C03  }
0xb8: {  	[timem:s3], [sflag:s2] =	dma.local @!p0 [hbm:s0], s1  }
0xb9: {  	s0 =	simm.s32 @!p0 $0x3  }
0xba: {  	_ =	swait.ge @!p0 [sflag:s0], s1  }
0xbb: {  	s1 =	ssub.s32 @!p0 $0x0, s1;
	[sflag:s0] =	ssyncset.done @!p0 $0x0  }
0xbc: {  	[sflag:s0] =	ssyncadd.s32 @!p0 s1  }
0xbd: {  	[bflag:$0x3] =	sbarrier.arrive $0xFFFF  }
0xbe: {  	_ =	shalt  }

</sc_bundles>
